<compile_context>
chip_gen: v7x
topology: tpu7x:2x2x1
jax: 0.10.2.dev20260603
libtpu: 0.0.44.dev20260713+nightly
codegen_flags: <defaults>
</compile_context>

<pallas_src>
import functools

import jax
import jax.numpy as jnp
from jax import lax
from jax.experimental import pallas as pl
from jax.experimental.pallas import tpu as pltpu
from jax.experimental.pallas import tpu_sc as plsc

_INFO = plsc.get_sparse_core_info()
_NC = _INFO.num_cores
_NS = _INFO.num_subcores
_NW = _NC * _NS
_L = 16


def _sc_loss_kernel(pred_lin, pk, B, C, H, W, K, NT):
    HW = H * W
    KG = NT // _L
    mesh = plsc.VectorSubcoreMesh(core_axis_name="c", subcore_axis_name="s")

    @functools.partial(
        pl.kernel,
        out_type=jax.ShapeDtypeStruct((_NW, 2 * _L), jnp.float32),
        mesh=mesh,
        scratch_types=[
            pltpu.VMEM((5 * NT,), jnp.float32),
            pltpu.VMEM((4 * NT,), jnp.int32),
            pltpu.VMEM((4 * NT,), jnp.float32),
            pltpu.VMEM((2 * _L,), jnp.float32),
            pltpu.SemaphoreType.DMA,
        ],
    )
    def body(pred_hbm, pk_hbm, out_hbm, pk_v, idx_v, gv_v, out_v, gsem):
        wid = lax.axis_index("s") * _NC + lax.axis_index("c")

        pltpu.sync_copy(pk_hbm.at[wid], pk_v)

        base = wid * (C * HW)

        def build_chunk(j, _):
            cbase = j * 128
            for kind in (0, 1):
                for u in (0, 1):
                    p = pk_v[pl.ds(kind * NT + cbase // 4 + u * _L, _L)
                             ].astype(jnp.int32)
                    h = p >> 8
                    w = p & (W - 1)
                    tiled = (((h >> 3) << 11) + ((w >> 7) << 10)
                             + ((h & 7) << 7) + (w & 127))
                    a0 = base + tiled
                    koff = cbase + kind * 64 + u * _L
                    idx_v[pl.ds(koff, _L)] = a0
                    idx_v[pl.ds(koff + 2 * _L, _L)] = a0 + HW
            sl = pl.ds(cbase, 128)
            pltpu.async_copy(pred_hbm.at[idx_v.at[sl]], gv_v.at[sl], gsem)
            return _

        lax.fori_loop(0, KG // 2, build_chunk, None)
        pltpu.make_async_copy(pred_hbm.at[pl.ds(0, 4 * NT)], gv_v,
                              gsem).wait()

        def accum(g, carry):
            acc, mac = carry
            cbase = (g >> 1) * 128
            u = (g & 1) * _L
            m = pk_v[pl.ds(4 * NT + g * _L, _L)]
            for c in (0, 1):
                vs = gv_v[pl.ds(cbase + c * 2 * _L + u, _L)]
                ve = gv_v[pl.ds(cbase + 64 + c * 2 * _L + u, _L)]
                t = pk_v[pl.ds((2 + c) * NT + g * _L, _L)]
                gavg = (vs + ve) * 0.5
                d = gavg * m - t * m
                ad = jnp.abs(d)
                l = jnp.where(ad < 1.0, 0.5 * d * d, ad - 0.5)
                acc = acc + l
                mac = mac + m
            return acc, mac

        acc, mac = lax.fori_loop(
            0, KG, accum,
            (jnp.zeros((_L,), jnp.float32), jnp.zeros((_L,), jnp.float32)))
        out_v[pl.ds(0, _L)] = acc
        out_v[pl.ds(_L, _L)] = mac
        pltpu.sync_copy(out_v, out_hbm.at[wid])

    return body(pred_lin, pk)


def kernel(pred, mask, ind, target):
    B, C, H, W = pred.shape
    K = ind.shape[1]
    NT = ((K + _L - 1) // _L + 7) // 8 * 8 * _L
    pk = NT - K

    pred_lin = (pred.reshape(B, C, H // 8, 8, W // 128, 128)
                .swapaxes(3, 4).reshape(-1))

    pk_op = jnp.pad(
        jnp.concatenate(
            [ind.astype(jnp.float32).swapaxes(1, 2),
             target.swapaxes(1, 2),
             mask[:, None, :]],
            axis=1),
        ((0, 0), (0, 0), (0, pk))).reshape(B, 5 * NT)

    out = _sc_loss_kernel(pred_lin, pk_op, B, C, H, W, K, NT)
    out = out.reshape(_NW, 2, _L)
    num = jnp.sum(out[:, 0, :])
    den = jnp.sum(out[:, 1, :])
    return num / (den + 0.0001)

# --- scband reference (transcript-rebuilt; emitter-appended) ---
"""Pipeline reference for scband-reg-l1-loss-31748398252034 (READ-ONLY COPY).

The authoritative reference and input builder live on the scoring server;
editing this copy changes nothing except your own understanding.
"""

import jax, jax.numpy as jnp
import numpy as np


def setup_inputs(seed: int = 0) -> dict:
    key = jax.random.key(seed)
    k1, k2, k3 = jax.random.split(key, 3)
    pred = jax.random.normal(k1, (32, 2, 256, 256), dtype=jnp.float32)
    mask = jnp.ones((32, 500), dtype=jnp.float32)
    ind = jax.random.randint(k2, (32, 500, 2), 0, 256 * 256, dtype=jnp.int32)
    target = jax.random.normal(k3, (32, 500, 2), dtype=jnp.float32)
    return {"pred": pred, "mask": mask, "ind": ind, "target": target}


def _transpose_and_gather_feat(pred, ind):
    B, C, H, W = pred.shape
    feat = jnp.transpose(pred, (0, 2, 3, 1)).reshape(B, H * W, C)
    # ind: [B, K, 2]; gather start and end positions, then average
    ind_s = ind[:, :, 0][:, :, None]  # [B, K, 1]
    ind_e = ind[:, :, 1][:, :, None]
    feat_s = jnp.take_along_axis(feat, ind_s, axis=1)  # [B, K, C]
    feat_e = jnp.take_along_axis(feat, ind_e, axis=1)
    return (feat_s + feat_e) / 2.0


def reference(pred, mask, ind, target):
    g = _transpose_and_gather_feat(pred, ind)  # [B, K, C]
    m = jnp.broadcast_to(mask[:, :, None], g.shape).astype(jnp.float32)
    diff = g * m - target * m
    ad = jnp.abs(diff)
    # smooth_l1_loss with beta=1.0, reduction='sum'
    l = jnp.where(ad < 1.0, 0.5 * diff * diff, ad - 0.5)
    loss = jnp.sum(l) / (jnp.sum(m) + 0.0001)
    return loss

if __name__ == "__main__":
    import jax
    _d = setup_inputs()
    print(jax.jit(kernel)(*tuple(_d.values())))

</pallas_src>

<mosaic_0001>
#map = affine_map<(d0, d1) -> (0)>
#map1 = affine_map<(d0, d1) -> (0, 0)>
module attributes {stable_mosaic.version = 14 : i64} {
  func.func @body(%arg0: i32, %arg1: i32, %arg2: memref<4194304xf32, #tpu.memory_space<hbm>>, %arg3: memref<32x2560xf32, #tpu.memory_space<hbm>>, %arg4: memref<32x32xf32, #tpu.memory_space<hbm>>, %arg5: memref<2560xf32, #tpu.memory_space<vmem>>, %arg6: memref<2048xi32, #tpu.memory_space<vmem>>, %arg7: memref<2048xf32, #tpu.memory_space<vmem>>, %arg8: memref<32xf32, #tpu.memory_space<vmem>>, %arg9: memref<!tpu.dma_semaphore, #tpu.memory_space<semaphore_mem>>) attributes {dimension_semantics = [#tpu.dimension_semantics<core_parallel>, #tpu.dimension_semantics<subcore_parallel>], iteration_bounds = array<i64: 2, 16>, scalar_prefetch = 0 : i64, scratch_operands = 5 : i64, tpu.core_type = #tpu.core_type<sc_vector_subcore>, window_params = [{transform_indices = #map}, {transform_indices = #map1}, {transform_indices = #map1}]} {
    %mul3A = arith.constant 2 : i32
    %mul3A_0 = arith.muli %arg1, %mul3A : i32
    %add3A = arith.addi %mul3A_0, %arg0 : i32
    "tpu.region"() ({
      %run_scoped3A = tpu.sem_alloc : memref<!tpu.dma_semaphore, #tpu.memory_space<semaphore_mem>>
      %dma_start3A = arith.constant 0 : i32
      %dma_start3A_26 = tpu.memref_slice %arg3[%add3A, %dma_start3A] : memref<32x2560xf32, #tpu.memory_space<hbm>> -> memref<1x2560xf32, #tpu.memory_space<hbm>>
      %dma_start3A_27 = tpu.memref_squeeze %dma_start3A_26 : memref<1x2560xf32, #tpu.memory_space<hbm>> -> memref<2560xf32, #tpu.memory_space<hbm>>
      %dma_start3A_28 = arith.constant 0 : i32
      %dma_start3A_29 = tpu.memref_slice %arg3[%add3A, %dma_start3A_28] : memref<32x2560xf32, #tpu.memory_space<hbm>> -> memref<1x2560xf32, #tpu.memory_space<hbm>>
      %dma_start3A_30 = tpu.memref_squeeze %dma_start3A_29 : memref<1x2560xf32, #tpu.memory_space<hbm>> -> memref<2560xf32, #tpu.memory_space<hbm>>
      tpu.enqueue_dma source(%dma_start3A_30 : memref<2560xf32, #tpu.memory_space<hbm>>) target(%arg5 : memref<2560xf32, #tpu.memory_space<vmem>>) target_semaphore(%run_scoped3A : memref<!tpu.dma_semaphore, #tpu.memory_space<semaphore_mem>>)
      %dma_wait3A_31 = arith.constant 0 : i32
      %dma_wait3A_32 = tpu.memref_slice %arg3[%add3A, %dma_wait3A_31] : memref<32x2560xf32, #tpu.memory_space<hbm>> -> memref<1x2560xf32, #tpu.memory_space<hbm>>
      %dma_wait3A_33 = tpu.memref_squeeze %dma_wait3A_32 : memref<1x2560xf32, #tpu.memory_space<hbm>> -> memref<2560xf32, #tpu.memory_space<hbm>>
      %dma_wait3A_34 = arith.constant 0 : i32
      %dma_wait3A_35 = tpu.memref_slice %arg3[%add3A, %dma_wait3A_34] : memref<32x2560xf32, #tpu.memory_space<hbm>> -> memref<1x2560xf32, #tpu.memory_space<hbm>>
      %dma_wait3A_36 = tpu.memref_squeeze %dma_wait3A_35 : memref<1x2560xf32, #tpu.memory_space<hbm>> -> memref<2560xf32, #tpu.memory_space<hbm>>
      tpu.wait_dma2 semaphore(%run_scoped3A : memref<!tpu.dma_semaphore, #tpu.memory_space<semaphore_mem>>) src(%dma_wait3A_36 : memref<2560xf32, #tpu.memory_space<hbm>>) dst(%arg5 : memref<2560xf32, #tpu.memory_space<vmem>>)
      tpu.yield
    }) : () -> ()
    %mul3A_1 = arith.constant 131072 : i32
    %mul3A_2 = arith.muli %add3A, %mul3A_1 : i32
    %scan3A = arith.constant 0 : i32
    %scan3A_3 = arith.constant 16 : i32
    %scan3A_4 = arith.addi %scan3A, %scan3A_3 : i32
    %scan3A_5 = arith.constant 1 : i32
    scf.for %scan3A_26 = %scan3A to %scan3A_4 step %scan3A_5  : i32 {
      %mul3A_27 = arith.constant 128 : i32
      %mul3A_28 = arith.muli %scan3A_26, %mul3A_27 : i32
      %jit3A = arith.constant 4 : i32
      %div3A = arith.divsi %mul3A_28, %jit3A : i32
      %sign3A = arith.constant 0 : i32
      %sign3A_29 = arith.cmpi sgt, %mul3A_28, %sign3A : i32
      %sign3A_30 = arith.extui %sign3A_29 : i1 to i32
      %sign3A_31 = arith.constant 0 : i32
      %sign3A_32 = arith.cmpi slt, %mul3A_28, %sign3A_31 : i32
      %sign3A_33 = arith.extui %sign3A_32 : i1 to i32
      %sign3A_34 = arith.subi %sign3A_30, %sign3A_33 : i32
      %sign3A_35 = arith.constant 0 : i32
      %sign3A_36 = arith.cmpi sgt, %jit3A, %sign3A_35 : i32
      %sign3A_37 = arith.extui %sign3A_36 : i1 to i32
      %sign3A_38 = arith.constant 0 : i32
      %sign3A_39 = arith.cmpi slt, %jit3A, %sign3A_38 : i32
      %sign3A_40 = arith.extui %sign3A_39 : i1 to i32
      %sign3A_41 = arith.subi %sign3A_37, %sign3A_40 : i32
      %ne3A = arith.cmpi ne, %sign3A_34, %sign3A_41 : i32
      %rem3A = arith.remsi %mul3A_28, %jit3A : i32
      %ne3A_42 = arith.constant 0 : i32
      %ne3A_43 = arith.cmpi ne, %rem3A, %ne3A_42 : i32
      %and3A = arith.andi %ne3A, %ne3A_43 : i1
      %sub3A = arith.constant 1 : i32
      %sub3A_44 = arith.subi %div3A, %sub3A : i32
      %select_n3A = arith.select %and3A, %sub3A_44, %div3A : i32
      %add3A_45 = arith.constant 0 : i32
      %add3A_46 = arith.addi %add3A_45, %select_n3A : i32
      %add3A_47 = arith.constant 0 : i32
      %add3A_48 = arith.addi %add3A_46, %add3A_47 : i32
      %get3A = arith.index_cast %add3A_48 : i32 to index
      %get3A_49 = tpu.vector_load %arg5[%get3A] {strides = array<i32>} : memref<2560xf32, #tpu.memory_space<vmem>>, vector<16xf32>,
      %get3A_50 = vector.shape_cast %get3A_49 : vector<16xf32> to vector<16xf32>
      %convert_element_type3A = arith.fptosi %get3A_50 : vector<16xf32> to vector<16xi32>
      %shift_right_arithmetic3A = arith.constant 8 : i32
      %shift_right_arithmetic3A_51 = vector.broadcast %shift_right_arithmetic3A : i32 to vector<16xi32>
      %shift_right_arithmetic3A_52 = arith.shrsi %convert_element_type3A, %shift_right_arithmetic3A_51 : vector<16xi32>
      %and3A_53 = arith.constant 255 : i32
      %and3A_54 = vector.broadcast %and3A_53 : i32 to vector<16xi32>
      %and3A_55 = arith.andi %convert_element_type3A, %and3A_54 : vector<16xi32>
      %shift_right_arithmetic3A_56 = arith.constant 3 : i32
      %shift_right_arithmetic3A_57 = vector.broadcast %shift_right_arithmetic3A_56 : i32 to vector<16xi32>
      %shift_right_arithmetic3A_58 = arith.shrsi %shift_right_arithmetic3A_52, %shift_right_arithmetic3A_57 : vector<16xi32>
      %shift_left3A = arith.constant 11 : i32
      %shift_left3A_59 = vector.broadcast %shift_left3A : i32 to vector<16xi32>
      %shift_left3A_60 = arith.shli %shift_right_arithmetic3A_58, %shift_left3A_59 : vector<16xi32>
      %shift_right_arithmetic3A_61 = arith.constant 7 : i32
      %shift_right_arithmetic3A_62 = vector.broadcast %shift_right_arithmetic3A_61 : i32 to vector<16xi32>
      %shift_right_arithmetic3A_63 = arith.shrsi %and3A_55, %shift_right_arithmetic3A_62 : vector<16xi32>
      %shift_left3A_64 = arith.constant 10 : i32
      %shift_left3A_65 = vector.broadcast %shift_left3A_64 : i32 to vector<16xi32>
      %shift_left3A_66 = arith.shli %shift_right_arithmetic3A_63, %shift_left3A_65 : vector<16xi32>
      %add3A_67 = arith.addi %shift_left3A_60, %shift_left3A_66 : vector<16xi32>
      %and3A_68 = arith.constant 7 : i32
      %and3A_69 = vector.broadcast %and3A_68 : i32 to vector<16xi32>
      %and3A_70 = arith.andi %shift_right_arithmetic3A_52, %and3A_69 : vector<16xi32>
      %shift_left3A_71 = arith.constant 7 : i32
      %shift_left3A_72 = vector.broadcast %shift_left3A_71 : i32 to vector<16xi32>
      %shift_left3A_73 = arith.shli %and3A_70, %shift_left3A_72 : vector<16xi32>
      %add3A_74 = arith.addi %add3A_67, %shift_left3A_73 : vector<16xi32>
      %and3A_75 = arith.constant 127 : i32
      %and3A_76 = vector.broadcast %and3A_75 : i32 to vector<16xi32>
      %and3A_77 = arith.andi %and3A_55, %and3A_76 : vector<16xi32>
      %add3A_78 = arith.addi %add3A_74, %and3A_77 : vector<16xi32>
      %add3A_79 = vector.broadcast %mul3A_2 : i32 to vector<16xi32>
      %add3A_80 = arith.addi %add3A_79, %add3A_78 : vector<16xi32>
      %add3A_81 = arith.constant 0 : i32
      %add3A_82 = arith.addi %mul3A_28, %add3A_81 : i32
      %add3A_83 = arith.constant 0 : i32
      %add3A_84 = arith.addi %add3A_82, %add3A_83 : i32
      %swap3A_85 = arith.index_cast %add3A_84 : i32 to index
      %swap3A_86 = tpu.vector_load %arg6[%swap3A_85] {strides = array<i32>} : memref<2048xi32, #tpu.memory_space<vmem>>, vector<16xi32>,
      %swap3A_87 = vector.shape_cast %swap3A_86 : vector<16xi32> to vector<16xi32>
      %swap3A_88 = vector.shape_cast %add3A_80 : vector<16xi32> to vector<16xi32>
      tpu.vector_store %arg6[%swap3A_85], %swap3A_88 {strides = array<i32>} : memref<2048xi32, #tpu.memory_space<vmem>>, vector<16xi32>,
      %add3A_89 = arith.constant 65536 : i32
      %add3A_90 = vector.broadcast %add3A_89 : i32 to vector<16xi32>
      %add3A_91 = arith.addi %add3A_80, %add3A_90 : vector<16xi32>
      %add3A_92 = arith.constant 32 : i32
      %add3A_93 = arith.addi %add3A_84, %add3A_92 : i32
      %swap3A_94 = arith.index_cast %add3A_93 : i32 to index
      %swap3A_95 = tpu.vector_load %arg6[%swap3A_94] {strides = array<i32>} : memref<2048xi32, #tpu.memory_space<vmem>>, vector<16xi32>,
      %swap3A_96 = vector.shape_cast %swap3A_95 : vector<16xi32> to vector<16xi32>
      %swap3A_97 = vector.shape_cast %add3A_91 : vector<16xi32> to vector<16xi32>
      tpu.vector_store %arg6[%swap3A_94], %swap3A_97 {strides = array<i32>} : memref<2048xi32, #tpu.memory_space<vmem>>, vector<16xi32>,
      %jit3A_98 = arith.constant 4 : i32
      %div3A_99 = arith.divsi %mul3A_28, %jit3A_98 : i32
      %sign3A_100 = arith.constant 0 : i32
      %sign3A_101 = arith.cmpi sgt, %mul3A_28, %sign3A_100 : i32
      %sign3A_102 = arith.extui %sign3A_101 : i1 to i32
      %sign3A_103 = arith.constant 0 : i32
      %sign3A_104 = arith.cmpi slt, %mul3A_28, %sign3A_103 : i32
      %sign3A_105 = arith.extui %sign3A_104 : i1 to i32
      %sign3A_106 = arith.subi %sign3A_102, %sign3A_105 : i32
      %sign3A_107 = arith.constant 0 : i32
      %sign3A_108 = arith.cmpi sgt, %jit3A_98, %sign3A_107 : i32
      %sign3A_109 = arith.extui %sign3A_108 : i1 to i32
      %sign3A_110 = arith.constant 0 : i32
      %sign3A_111 = arith.cmpi slt, %jit3A_98, %sign3A_110 : i32
      %sign3A_112 = arith.extui %sign3A_111 : i1 to i32
      %sign3A_113 = arith.subi %sign3A_109, %sign3A_112 : i32
      %ne3A_114 = arith.cmpi ne, %sign3A_106, %sign3A_113 : i32
      %rem3A_115 = arith.remsi %mul3A_28, %jit3A_98 : i32
      %ne3A_116 = arith.constant 0 : i32
      %ne3A_117 = arith.cmpi ne, %rem3A_115, %ne3A_116 : i32
      %and3A_118 = arith.andi %ne3A_114, %ne3A_117 : i1
      %sub3A_119 = arith.constant 1 : i32
      %sub3A_120 = arith.subi %div3A_99, %sub3A_119 : i32
      %select_n3A_121 = arith.select %and3A_118, %sub3A_120, %div3A_99 : i32
      %add3A_122 = arith.constant 0 : i32
      %add3A_123 = arith.addi %add3A_122, %select_n3A_121 : i32
      %add3A_124 = arith.constant 16 : i32
      %add3A_125 = arith.addi %add3A_123, %add3A_124 : i32
      %get3A_126 = arith.index_cast %add3A_125 : i32 to index
      %get3A_127 = tpu.vector_load %arg5[%get3A_126] {strides = array<i32>} : memref<2560xf32, #tpu.memory_space<vmem>>, vector<16xf32>,
      %get3A_128 = vector.shape_cast %get3A_127 : vector<16xf32> to vector<16xf32>
      %convert_element_type3A_129 = arith.fptosi %get3A_128 : vector<16xf32> to vector<16xi32>
      %shift_right_arithmetic3A_130 = arith.constant 8 : i32
      %shift_right_arithmetic3A_131 = vector.broadcast %shift_right_arithmetic3A_130 : i32 to vector<16xi32>
      %shift_right_arithmetic3A_132 = arith.shrsi %convert_element_type3A_129, %shift_right_arithmetic3A_131 : vector<16xi32>
      %and3A_133 = arith.constant 255 : i32
      %and3A_134 = vector.broadcast %and3A_133 : i32 to vector<16xi32>
      %and3A_135 = arith.andi %convert_element_type3A_129, %and3A_134 : vector<16xi32>
      %shift_right_arithmetic3A_136 = arith.constant 3 : i32
      %shift_right_arithmetic3A_137 = vector.broadcast %shift_right_arithmetic3A_136 : i32 to vector<16xi32>
      %shift_right_arithmetic3A_138 = arith.shrsi %shift_right_arithmetic3A_132, %shift_right_arithmetic3A_137 : vector<16xi32>
      %shift_left3A_139 = arith.constant 11 : i32
      %shift_left3A_140 = vector.broadcast %shift_left3A_139 : i32 to vector<16xi32>
      %shift_left3A_141 = arith.shli %shift_right_arithmetic3A_138, %shift_left3A_140 : vector<16xi32>
      %shift_right_arithmetic3A_142 = arith.constant 7 : i32
      %shift_right_arithmetic3A_143 = vector.broadcast %shift_right_arithmetic3A_142 : i32 to vector<16xi32>
      %shift_right_arithmetic3A_144 = arith.shrsi %and3A_135, %shift_right_arithmetic3A_143 : vector<16xi32>
      %shift_left3A_145 = arith.constant 10 : i32
      %shift_left3A_146 = vector.broadcast %shift_left3A_145 : i32 to vector<16xi32>
      %shift_left3A_147 = arith.shli %shift_right_arithmetic3A_144, %shift_left3A_146 : vector<16xi32>
      %add3A_148 = arith.addi %shift_left3A_141, %shift_left3A_147 : vector<16xi32>
      %and3A_149 = arith.constant 7 : i32
      %and3A_150 = vector.broadcast %and3A_149 : i32 to vector<16xi32>
      %and3A_151 = arith.andi %shift_right_arithmetic3A_132, %and3A_150 : vector<16xi32>
      %shift_left3A_152 = arith.constant 7 : i32
      %shift_left3A_153 = vector.broadcast %shift_left3A_152 : i32 to vector<16xi32>
      %shift_left3A_154 = arith.shli %and3A_151, %shift_left3A_153 : vector<16xi32>
      %add3A_155 = arith.addi %add3A_148, %shift_left3A_154 : vector<16xi32>
      %and3A_156 = arith.constant 127 : i32
      %and3A_157 = vector.broadcast %and3A_156 : i32 to vector<16xi32>
      %and3A_158 = arith.andi %and3A_135, %and3A_157 : vector<16xi32>
      %add3A_159 = arith.addi %add3A_155, %and3A_158 : vector<16xi32>
      %add3A_160 = vector.broadcast %mul3A_2 : i32 to vector<16xi32>
      %add3A_161 = arith.addi %add3A_160, %add3A_159 : vector<16xi32>
      %add3A_162 = arith.constant 0 : i32
      %add3A_163 = arith.addi %mul3A_28, %add3A_162 : i32
      %add3A_164 = arith.constant 16 : i32
      %add3A_165 = arith.addi %add3A_163, %add3A_164 : i32
      %swap3A_166 = arith.index_cast %add3A_165 : i32 to index
      %swap3A_167 = tpu.vector_load %arg6[%swap3A_166] {strides = array<i32>} : memref<2048xi32, #tpu.memory_space<vmem>>, vector<16xi32>,
      %swap3A_168 = vector.shape_cast %swap3A_167 : vector<16xi32> to vector<16xi32>
      %swap3A_169 = vector.shape_cast %add3A_161 : vector<16xi32> to vector<16xi32>
      tpu.vector_store %arg6[%swap3A_166], %swap3A_169 {strides = array<i32>} : memref<2048xi32, #tpu.memory_space<vmem>>, vector<16xi32>,
      %add3A_170 = arith.constant 65536 : i32
      %add3A_171 = vector.broadcast %add3A_170 : i32 to vector<16xi32>
      %add3A_172 = arith.addi %add3A_161, %add3A_171 : vector<16xi32>
      %add3A_173 = arith.constant 32 : i32
      %add3A_174 = arith.addi %add3A_165, %add3A_173 : i32
      %swap3A_175 = arith.index_cast %add3A_174 : i32 to index
      %swap3A_176 = tpu.vector_load %arg6[%swap3A_175] {strides = array<i32>} : memref<2048xi32, #tpu.memory_space<vmem>>, vector<16xi32>,
      %swap3A_177 = vector.shape_cast %swap3A_176 : vector<16xi32> to vector<16xi32>
      %swap3A_178 = vector.shape_cast %add3A_172 : vector<16xi32> to vector<16xi32>
      tpu.vector_store %arg6[%swap3A_175], %swap3A_178 {strides = array<i32>} : memref<2048xi32, #tpu.memory_space<vmem>>, vector<16xi32>,
      %jit3A_179 = arith.constant 4 : i32
      %div3A_180 = arith.divsi %mul3A_28, %jit3A_179 : i32
      %sign3A_181 = arith.constant 0 : i32
      %sign3A_182 = arith.cmpi sgt, %mul3A_28, %sign3A_181 : i32
      %sign3A_183 = arith.extui %sign3A_182 : i1 to i32
      %sign3A_184 = arith.constant 0 : i32
      %sign3A_185 = arith.cmpi slt, %mul3A_28, %sign3A_184 : i32
      %sign3A_186 = arith.extui %sign3A_185 : i1 to i32
      %sign3A_187 = arith.subi %sign3A_183, %sign3A_186 : i32
      %sign3A_188 = arith.constant 0 : i32
      %sign3A_189 = arith.cmpi sgt, %jit3A_179, %sign3A_188 : i32
      %sign3A_190 = arith.extui %sign3A_189 : i1 to i32
      %sign3A_191 = arith.constant 0 : i32
      %sign3A_192 = arith.cmpi slt, %jit3A_179, %sign3A_191 : i32
      %sign3A_193 = arith.extui %sign3A_192 : i1 to i32
      %sign3A_194 = arith.subi %sign3A_190, %sign3A_193 : i32
      %ne3A_195 = arith.cmpi ne, %sign3A_187, %sign3A_194 : i32
      %rem3A_196 = arith.remsi %mul3A_28, %jit3A_179 : i32
      %ne3A_197 = arith.constant 0 : i32
      %ne3A_198 = arith.cmpi ne, %rem3A_196, %ne3A_197 : i32
      %and3A_199 = arith.andi %ne3A_195, %ne3A_198 : i1
      %sub3A_200 = arith.constant 1 : i32
      %sub3A_201 = arith.subi %div3A_180, %sub3A_200 : i32
      %select_n3A_202 = arith.select %and3A_199, %sub3A_201, %div3A_180 : i32
      %add3A_203 = arith.constant 512 : i32
      %add3A_204 = arith.addi %add3A_203, %select_n3A_202 : i32
      %add3A_205 = arith.constant 0 : i32
      %add3A_206 = arith.addi %add3A_204, %add3A_205 : i32
      %get3A_207 = arith.index_cast %add3A_206 : i32 to index
      %get3A_208 = tpu.vector_load %arg5[%get3A_207] {strides = array<i32>} : memref<2560xf32, #tpu.memory_space<vmem>>, vector<16xf32>,
      %get3A_209 = vector.shape_cast %get3A_208 : vector<16xf32> to vector<16xf32>
      %convert_element_type3A_210 = arith.fptosi %get3A_209 : vector<16xf32> to vector<16xi32>
      %shift_right_arithmetic3A_211 = arith.constant 8 : i32
      %shift_right_arithmetic3A_212 = vector.broadcast %shift_right_arithmetic3A_211 : i32 to vector<16xi32>
      %shift_right_arithmetic3A_213 = arith.shrsi %convert_element_type3A_210, %shift_right_arithmetic3A_212 : vector<16xi32>
      %and3A_214 = arith.constant 255 : i32
      %and3A_215 = vector.broadcast %and3A_214 : i32 to vector<16xi32>
      %and3A_216 = arith.andi %convert_element_type3A_210, %and3A_215 : vector<16xi32>
      %shift_right_arithmetic3A_217 = arith.constant 3 : i32
      %shift_right_arithmetic3A_218 = vector.broadcast %shift_right_arithmetic3A_217 : i32 to vector<16xi32>
      %shift_right_arithmetic3A_219 = arith.shrsi %shift_right_arithmetic3A_213, %shift_right_arithmetic3A_218 : vector<16xi32>
      %shift_left3A_220 = arith.constant 11 : i32
      %shift_left3A_221 = vector.broadcast %shift_left3A_220 : i32 to vector<16xi32>
      %shift_left3A_222 = arith.shli %shift_right_arithmetic3A_219, %shift_left3A_221 : vector<16xi32>
      %shift_right_arithmetic3A_223 = arith.constant 7 : i32
      %shift_right_arithmetic3A_224 = vector.broadcast %shift_right_arithmetic3A_223 : i32 to vector<16xi32>
      %shift_right_arithmetic3A_225 = arith.shrsi %and3A_216, %shift_right_arithmetic3A_224 : vector<16xi32>
      %shift_left3A_226 = arith.constant 10 : i32
      %shift_left3A_227 = vector.broadcast %shift_left3A_226 : i32 to vector<16xi32>
      %shift_left3A_228 = arith.shli %shift_right_arithmetic3A_225, %shift_left3A_227 : vector<16xi32>
      %add3A_229 = arith.addi %shift_left3A_222, %shift_left3A_228 : vector<16xi32>
      %and3A_230 = arith.constant 7 : i32
      %and3A_231 = vector.broadcast %and3A_230 : i32 to vector<16xi32>
      %and3A_232 = arith.andi %shift_right_arithmetic3A_213, %and3A_231 : vector<16xi32>
      %shift_left3A_233 = arith.constant 7 : i32
      %shift_left3A_234 = vector.broadcast %shift_left3A_233 : i32 to vector<16xi32>
      %shift_left3A_235 = arith.shli %and3A_232, %shift_left3A_234 : vector<16xi32>
      %add3A_236 = arith.addi %add3A_229, %shift_left3A_235 : vector<16xi32>
      %and3A_237 = arith.constant 127 : i32
      %and3A_238 = vector.broadcast %and3A_237 : i32 to vector<16xi32>
      %and3A_239 = arith.andi %and3A_216, %and3A_238 : vector<16xi32>
      %add3A_240 = arith.addi %add3A_236, %and3A_239 : vector<16xi32>
      %add3A_241 = vector.broadcast %mul3A_2 : i32 to vector<16xi32>
      %add3A_242 = arith.addi %add3A_241, %add3A_240 : vector<16xi32>
      %add3A_243 = arith.constant 64 : i32
      %add3A_244 = arith.addi %mul3A_28, %add3A_243 : i32
      %add3A_245 = arith.constant 0 : i32
      %add3A_246 = arith.addi %add3A_244, %add3A_245 : i32
      %swap3A_247 = arith.index_cast %add3A_246 : i32 to index
      %swap3A_248 = tpu.vector_load %arg6[%swap3A_247] {strides = array<i32>} : memref<2048xi32, #tpu.memory_space<vmem>>, vector<16xi32>,
      %swap3A_249 = vector.shape_cast %swap3A_248 : vector<16xi32> to vector<16xi32>
      %swap3A_250 = vector.shape_cast %add3A_242 : vector<16xi32> to vector<16xi32>
      tpu.vector_store %arg6[%swap3A_247], %swap3A_250 {strides = array<i32>} : memref<2048xi32, #tpu.memory_space<vmem>>, vector<16xi32>,
      %add3A_251 = arith.constant 65536 : i32
      %add3A_252 = vector.broadcast %add3A_251 : i32 to vector<16xi32>
      %add3A_253 = arith.addi %add3A_242, %add3A_252 : vector<16xi32>
      %add3A_254 = arith.constant 32 : i32
      %add3A_255 = arith.addi %add3A_246, %add3A_254 : i32
      %swap3A_256 = arith.index_cast %add3A_255 : i32 to index
      %swap3A_257 = tpu.vector_load %arg6[%swap3A_256] {strides = array<i32>} : memref<2048xi32, #tpu.memory_space<vmem>>, vector<16xi32>,
      %swap3A_258 = vector.shape_cast %swap3A_257 : vector<16xi32> to vector<16xi32>
      %swap3A_259 = vector.shape_cast %add3A_253 : vector<16xi32> to vector<16xi32>
      tpu.vector_store %arg6[%swap3A_256], %swap3A_259 {strides = array<i32>} : memref<2048xi32, #tpu.memory_space<vmem>>, vector<16xi32>,
      %jit3A_260 = arith.constant 4 : i32
      %div3A_261 = arith.divsi %mul3A_28, %jit3A_260 : i32
      %sign3A_262 = arith.constant 0 : i32
      %sign3A_263 = arith.cmpi sgt, %mul3A_28, %sign3A_262 : i32
      %sign3A_264 = arith.extui %sign3A_263 : i1 to i32
      %sign3A_265 = arith.constant 0 : i32
      %sign3A_266 = arith.cmpi slt, %mul3A_28, %sign3A_265 : i32
      %sign3A_267 = arith.extui %sign3A_266 : i1 to i32
      %sign3A_268 = arith.subi %sign3A_264, %sign3A_267 : i32
      %sign3A_269 = arith.constant 0 : i32
      %sign3A_270 = arith.cmpi sgt, %jit3A_260, %sign3A_269 : i32
      %sign3A_271 = arith.extui %sign3A_270 : i1 to i32
      %sign3A_272 = arith.constant 0 : i32
      %sign3A_273 = arith.cmpi slt, %jit3A_260, %sign3A_272 : i32
      %sign3A_274 = arith.extui %sign3A_273 : i1 to i32
      %sign3A_275 = arith.subi %sign3A_271, %sign3A_274 : i32
      %ne3A_276 = arith.cmpi ne, %sign3A_268, %sign3A_275 : i32
      %rem3A_277 = arith.remsi %mul3A_28, %jit3A_260 : i32
      %ne3A_278 = arith.constant 0 : i32
      %ne3A_279 = arith.cmpi ne, %rem3A_277, %ne3A_278 : i32
      %and3A_280 = arith.andi %ne3A_276, %ne3A_279 : i1
      %sub3A_281 = arith.constant 1 : i32
      %sub3A_282 = arith.subi %div3A_261, %sub3A_281 : i32
      %select_n3A_283 = arith.select %and3A_280, %sub3A_282, %div3A_261 : i32
      %add3A_284 = arith.constant 512 : i32
      %add3A_285 = arith.addi %add3A_284, %select_n3A_283 : i32
      %add3A_286 = arith.constant 16 : i32
      %add3A_287 = arith.addi %add3A_285, %add3A_286 : i32
      %get3A_288 = arith.index_cast %add3A_287 : i32 to index
      %get3A_289 = tpu.vector_load %arg5[%get3A_288] {strides = array<i32>} : memref<2560xf32, #tpu.memory_space<vmem>>, vector<16xf32>,
      %get3A_290 = vector.shape_cast %get3A_289 : vector<16xf32> to vector<16xf32>
      %convert_element_type3A_291 = arith.fptosi %get3A_290 : vector<16xf32> to vector<16xi32>
      %shift_right_arithmetic3A_292 = arith.constant 8 : i32
      %shift_right_arithmetic3A_293 = vector.broadcast %shift_right_arithmetic3A_292 : i32 to vector<16xi32>
      %shift_right_arithmetic3A_294 = arith.shrsi %convert_element_type3A_291, %shift_right_arithmetic3A_293 : vector<16xi32>
      %and3A_295 = arith.constant 255 : i32
      %and3A_296 = vector.broadcast %and3A_295 : i32 to vector<16xi32>
      %and3A_297 = arith.andi %convert_element_type3A_291, %and3A_296 : vector<16xi32>
      %shift_right_arithmetic3A_298 = arith.constant 3 : i32
      %shift_right_arithmetic3A_299 = vector.broadcast %shift_right_arithmetic3A_298 : i32 to vector<16xi32>
      %shift_right_arithmetic3A_300 = arith.shrsi %shift_right_arithmetic3A_294, %shift_right_arithmetic3A_299 : vector<16xi32>
      %shift_left3A_301 = arith.constant 11 : i32
      %shift_left3A_302 = vector.broadcast %shift_left3A_301 : i32 to vector<16xi32>
      %shift_left3A_303 = arith.shli %shift_right_arithmetic3A_300, %shift_left3A_302 : vector<16xi32>
      %shift_right_arithmetic3A_304 = arith.constant 7 : i32
      %shift_right_arithmetic3A_305 = vector.broadcast %shift_right_arithmetic3A_304 : i32 to vector<16xi32>
      %shift_right_arithmetic3A_306 = arith.shrsi %and3A_297, %shift_right_arithmetic3A_305 : vector<16xi32>
      %shift_left3A_307 = arith.constant 10 : i32
      %shift_left3A_308 = vector.broadcast %shift_left3A_307 : i32 to vector<16xi32>
      %shift_left3A_309 = arith.shli %shift_right_arithmetic3A_306, %shift_left3A_308 : vector<16xi32>
      %add3A_310 = arith.addi %shift_left3A_303, %shift_left3A_309 : vector<16xi32>
      %and3A_311 = arith.constant 7 : i32
      %and3A_312 = vector.broadcast %and3A_311 : i32 to vector<16xi32>
      %and3A_313 = arith.andi %shift_right_arithmetic3A_294, %and3A_312 : vector<16xi32>
      %shift_left3A_314 = arith.constant 7 : i32
      %shift_left3A_315 = vector.broadcast %shift_left3A_314 : i32 to vector<16xi32>
      %shift_left3A_316 = arith.shli %and3A_313, %shift_left3A_315 : vector<16xi32>
      %add3A_317 = arith.addi %add3A_310, %shift_left3A_316 : vector<16xi32>
      %and3A_318 = arith.constant 127 : i32
      %and3A_319 = vector.broadcast %and3A_318 : i32 to vector<16xi32>
      %and3A_320 = arith.andi %and3A_297, %and3A_319 : vector<16xi32>
      %add3A_321 = arith.addi %add3A_317, %and3A_320 : vector<16xi32>
      %add3A_322 = vector.broadcast %mul3A_2 : i32 to vector<16xi32>
      %add3A_323 = arith.addi %add3A_322, %add3A_321 : vector<16xi32>
      %add3A_324 = arith.constant 64 : i32
      %add3A_325 = arith.addi %mul3A_28, %add3A_324 : i32
      %add3A_326 = arith.constant 16 : i32
      %add3A_327 = arith.addi %add3A_325, %add3A_326 : i32
      %swap3A_328 = arith.index_cast %add3A_327 : i32 to index
      %swap3A_329 = tpu.vector_load %arg6[%swap3A_328] {strides = array<i32>} : memref<2048xi32, #tpu.memory_space<vmem>>, vector<16xi32>,
      %swap3A_330 = vector.shape_cast %swap3A_329 : vector<16xi32> to vector<16xi32>
      %swap3A_331 = vector.shape_cast %add3A_323 : vector<16xi32> to vector<16xi32>
      tpu.vector_store %arg6[%swap3A_328], %swap3A_331 {strides = array<i32>} : memref<2048xi32, #tpu.memory_space<vmem>>, vector<16xi32>,
      %add3A_332 = arith.constant 65536 : i32
      %add3A_333 = vector.broadcast %add3A_332 : i32 to vector<16xi32>
      %add3A_334 = arith.addi %add3A_323, %add3A_333 : vector<16xi32>
      %add3A_335 = arith.constant 32 : i32
      %add3A_336 = arith.addi %add3A_327, %add3A_335 : i32
      %swap3A_337 = arith.index_cast %add3A_336 : i32 to index
      %swap3A_338 = tpu.vector_load %arg6[%swap3A_337] {strides = array<i32>} : memref<2048xi32, #tpu.memory_space<vmem>>, vector<16xi32>,
      %swap3A_339 = vector.shape_cast %swap3A_338 : vector<16xi32> to vector<16xi32>
      %swap3A_340 = vector.shape_cast %add3A_334 : vector<16xi32> to vector<16xi32>
      tpu.vector_store %arg6[%swap3A_337], %swap3A_340 {strides = array<i32>} : memref<2048xi32, #tpu.memory_space<vmem>>, vector<16xi32>,
      %dma_start3A = tpu.memref_slice %arg7[%mul3A_28] : memref<2048xf32, #tpu.memory_space<vmem>> -> memref<128xf32, #tpu.memory_space<vmem>>
      %dma_start3A_341 = tpu.memref_slice %arg6[%mul3A_28] : memref<2048xi32, #tpu.memory_space<vmem>> -> memref<128xi32, #tpu.memory_space<vmem>>
      %dma_start3A_342 = arith.constant 0 : i32
      %dma_start3A_343 = tpu.memref_slice %arg2[%dma_start3A_342] : memref<4194304xf32, #tpu.memory_space<hbm>> -> memref<4194304xf32, #tpu.memory_space<hbm>>
      tpu.enqueue_indirect_dma source(%dma_start3A_343 : memref<4194304xf32, #tpu.memory_space<hbm>>) target(%dma_start3A : memref<128xf32, #tpu.memory_space<vmem>>) offsets(%dma_start3A_341 : memref<128xi32, #tpu.memory_space<vmem>>) semaphore(%arg9 : memref<!tpu.dma_semaphore, #tpu.memory_space<semaphore_mem>>)
    }
    %scan3A_6 = arith.constant 16 : i32
    %dma_wait3A = arith.constant 0 : i32
    %dma_wait3A_7 = tpu.memref_slice %arg2[%dma_wait3A] : memref<4194304xf32, #tpu.memory_space<hbm>> -> memref<2048xf32, #tpu.memory_space<hbm>>
    %dma_wait3A_8 = arith.constant 0 : i32
    %dma_wait3A_9 = tpu.memref_slice %arg2[%dma_wait3A_8] : memref<4194304xf32, #tpu.memory_space<hbm>> -> memref<2048xf32, #tpu.memory_space<hbm>>
    tpu.wait_dma2 semaphore(%arg9 : memref<!tpu.dma_semaphore, #tpu.memory_space<semaphore_mem>>) src(%dma_wait3A_9 : memref<2048xf32, #tpu.memory_space<hbm>>) dst(%arg7 : memref<2048xf32, #tpu.memory_space<vmem>>)
    %broadcast_in_dim3A = arith.constant 0.000000e+00 : f32
    %broadcast_in_dim3A_10 = vector.broadcast %broadcast_in_dim3A : f32 to vector<16xf32>
    %broadcast_in_dim3A_11 = arith.constant 0.000000e+00 : f32
    %broadcast_in_dim3A_12 = vector.broadcast %broadcast_in_dim3A_11 : f32 to vector<16xf32>
    %scan3A_13 = arith.constant 0 : i32
    %scan3A_14 = arith.constant 32 : i32
    %scan3A_15 = arith.addi %scan3A_13, %scan3A_14 : i32
    %scan3A_16 = arith.constant 1 : i32
    %scan3A_17:2 = scf.for %scan3A_26 = %scan3A_13 to %scan3A_15 step %scan3A_16 iter_args(%scan3A_27 = %broadcast_in_dim3A_10, %scan3A_28 = %broadcast_in_dim3A_12) -> (vector<16xf32>, vector<16xf32>)  : i32 {
      %shift_right_arithmetic3A = arith.constant 1 : i32
      %shift_right_arithmetic3A_29 = arith.shrsi %scan3A_26, %shift_right_arithmetic3A : i32
      %mul3A_30 = arith.constant 128 : i32
      %mul3A_31 = arith.muli %shift_right_arithmetic3A_29, %mul3A_30 : i32
      %and3A = arith.constant 1 : i32
      %and3A_32 = arith.andi %scan3A_26, %and3A : i32
      %mul3A_33 = arith.constant 16 : i32
      %mul3A_34 = arith.muli %and3A_32, %mul3A_33 : i32
      %mul3A_35 = arith.constant 16 : i32
      %mul3A_36 = arith.muli %scan3A_26, %mul3A_35 : i32
      %add3A_37 = arith.constant 2048 : i32
      %add3A_38 = arith.addi %add3A_37, %mul3A_36 : i32
      %get3A = arith.index_cast %add3A_38 : i32 to index
      %get3A_39 = tpu.vector_load %arg5[%get3A] {strides = array<i32>} : memref<2560xf32, #tpu.memory_space<vmem>>, vector<16xf32>,
      %get3A_40 = vector.shape_cast %get3A_39 : vector<16xf32> to vector<16xf32>
      %add3A_41 = arith.constant 0 : i32
      %add3A_42 = arith.addi %mul3A_31, %add3A_41 : i32
      %add3A_43 = arith.addi %add3A_42, %mul3A_34 : i32
      %get3A_44 = arith.index_cast %add3A_43 : i32 to index
      %get3A_45 = tpu.vector_load %arg7[%get3A_44] {strides = array<i32>} : memref<2048xf32, #tpu.memory_space<vmem>>, vector<16xf32>,
      %get3A_46 = vector.shape_cast %get3A_45 : vector<16xf32> to vector<16xf32>
      %add3A_47 = arith.constant 64 : i32
      %add3A_48 = arith.addi %mul3A_31, %add3A_47 : i32
      %add3A_49 = arith.constant 0 : i32
      %add3A_50 = arith.addi %add3A_48, %add3A_49 : i32
      %add3A_51 = arith.addi %add3A_50, %mul3A_34 : i32
      %get3A_52 = arith.index_cast %add3A_51 : i32 to index
      %get3A_53 = tpu.vector_load %arg7[%get3A_52] {strides = array<i32>} : memref<2048xf32, #tpu.memory_space<vmem>>, vector<16xf32>,
      %get3A_54 = vector.shape_cast %get3A_53 : vector<16xf32> to vector<16xf32>
      %mul3A_55 = arith.constant 16 : i32
      %mul3A_56 = arith.muli %scan3A_26, %mul3A_55 : i32
      %add3A_57 = arith.constant 1024 : i32
      %add3A_58 = arith.addi %add3A_57, %mul3A_56 : i32
      %get3A_59 = arith.index_cast %add3A_58 : i32 to index
      %get3A_60 = tpu.vector_load %arg5[%get3A_59] {strides = array<i32>} : memref<2560xf32, #tpu.memory_space<vmem>>, vector<16xf32>,
      %get3A_61 = vector.shape_cast %get3A_60 : vector<16xf32> to vector<16xf32>
      %add3A_62 = arith.addf %get3A_46, %get3A_54 : vector<16xf32>
      %mul3A_63 = arith.constant 5.000000e-01 : f32
      %mul3A_64 = vector.broadcast %mul3A_63 : f32 to vector<16xf32>
      %mul3A_65 = arith.mulf %add3A_62, %mul3A_64 : vector<16xf32>
      %mul3A_66 = arith.mulf %mul3A_65, %get3A_40 : vector<16xf32>
      %mul3A_67 = arith.mulf %get3A_61, %get3A_40 : vector<16xf32>
      %sub3A = arith.subf %mul3A_66, %mul3A_67 : vector<16xf32>
      %abs3A = math.absf %sub3A : vector<16xf32>
      %lt3A = arith.constant 1.000000e+00 : f32
      %lt3A_68 = vector.broadcast %lt3A : f32 to vector<16xf32>
      %lt3A_69 = arith.cmpf olt, %abs3A, %lt3A_68 : vector<16xf32>
      %mul3A_70 = arith.constant 5.000000e-01 : f32
      %mul3A_71 = vector.broadcast %mul3A_70 : f32 to vector<16xf32>
      %mul3A_72 = arith.mulf %mul3A_71, %sub3A : vector<16xf32>
      %mul3A_73 = arith.mulf %mul3A_72, %sub3A : vector<16xf32>
      %sub3A_74 = arith.constant 5.000000e-01 : f32
      %sub3A_75 = vector.broadcast %sub3A_74 : f32 to vector<16xf32>
      %sub3A_76 = arith.subf %abs3A, %sub3A_75 : vector<16xf32>
      %select_n3A = arith.select %lt3A_69, %mul3A_73, %sub3A_76 : vector<16xi1>, vector<16xf32>
      %add3A_77 = arith.addf %scan3A_27, %select_n3A : vector<16xf32>
      %add3A_78 = arith.addf %scan3A_28, %get3A_40 : vector<16xf32>
      %add3A_79 = arith.constant 32 : i32
      %add3A_80 = arith.addi %mul3A_31, %add3A_79 : i32
      %add3A_81 = arith.addi %add3A_80, %mul3A_34 : i32
      %get3A_82 = arith.index_cast %add3A_81 : i32 to index
      %get3A_83 = tpu.vector_load %arg7[%get3A_82] {strides = array<i32>} : memref<2048xf32, #tpu.memory_space<vmem>>, vector<16xf32>,
      %get3A_84 = vector.shape_cast %get3A_83 : vector<16xf32> to vector<16xf32>
      %add3A_85 = arith.constant 64 : i32
      %add3A_86 = arith.addi %mul3A_31, %add3A_85 : i32
      %add3A_87 = arith.constant 32 : i32
      %add3A_88 = arith.addi %add3A_86, %add3A_87 : i32
      %add3A_89 = arith.addi %add3A_88, %mul3A_34 : i32
      %get3A_90 = arith.index_cast %add3A_89 : i32 to index
      %get3A_91 = tpu.vector_load %arg7[%get3A_90] {strides = array<i32>} : memref<2048xf32, #tpu.memory_space<vmem>>, vector<16xf32>,
      %get3A_92 = vector.shape_cast %get3A_91 : vector<16xf32> to vector<16xf32>
      %mul3A_93 = arith.constant 16 : i32
      %mul3A_94 = arith.muli %scan3A_26, %mul3A_93 : i32
      %add3A_95 = arith.constant 1536 : i32
      %add3A_96 = arith.addi %add3A_95, %mul3A_94 : i32
      %get3A_97 = arith.index_cast %add3A_96 : i32 to index
      %get3A_98 = tpu.vector_load %arg5[%get3A_97] {strides = array<i32>} : memref<2560xf32, #tpu.memory_space<vmem>>, vector<16xf32>,
      %get3A_99 = vector.shape_cast %get3A_98 : vector<16xf32> to vector<16xf32>
      %add3A_100 = arith.addf %get3A_84, %get3A_92 : vector<16xf32>
      %mul3A_101 = arith.constant 5.000000e-01 : f32
      %mul3A_102 = vector.broadcast %mul3A_101 : f32 to vector<16xf32>
      %mul3A_103 = arith.mulf %add3A_100, %mul3A_102 : vector<16xf32>
      %mul3A_104 = arith.mulf %mul3A_103, %get3A_40 : vector<16xf32>
      %mul3A_105 = arith.mulf %get3A_99, %get3A_40 : vector<16xf32>
      %sub3A_106 = arith.subf %mul3A_104, %mul3A_105 : vector<16xf32>
      %abs3A_107 = math.absf %sub3A_106 : vector<16xf32>
      %lt3A_108 = arith.constant 1.000000e+00 : f32
      %lt3A_109 = vector.broadcast %lt3A_108 : f32 to vector<16xf32>
      %lt3A_110 = arith.cmpf olt, %abs3A_107, %lt3A_109 : vector<16xf32>
      %mul3A_111 = arith.constant 5.000000e-01 : f32
      %mul3A_112 = vector.broadcast %mul3A_111 : f32 to vector<16xf32>
      %mul3A_113 = arith.mulf %mul3A_112, %sub3A_106 : vector<16xf32>
      %mul3A_114 = arith.mulf %mul3A_113, %sub3A_106 : vector<16xf32>
      %sub3A_115 = arith.constant 5.000000e-01 : f32
      %sub3A_116 = vector.broadcast %sub3A_115 : f32 to vector<16xf32>
      %sub3A_117 = arith.subf %abs3A_107, %sub3A_116 : vector<16xf32>
      %select_n3A_118 = arith.select %lt3A_110, %mul3A_114, %sub3A_117 : vector<16xi1>, vector<16xf32>
      %add3A_119 = arith.addf %add3A_77, %select_n3A_118 : vector<16xf32>
      %add3A_120 = arith.addf %add3A_78, %get3A_40 : vector<16xf32>
      scf.yield %add3A_119, %add3A_120 : vector<16xf32>, vector<16xf32>
    }
    %scan3A_18 = arith.constant 32 : i32
    %swap3A = arith.constant 0 : index
    %swap3A_19 = tpu.vector_load %arg8[%swap3A] {strides = array<i32>} : memref<32xf32, #tpu.memory_space<vmem>>, vector<16xf32>,
    %swap3A_20 = vector.shape_cast %swap3A_19 : vector<16xf32> to vector<16xf32>
    %swap3A_21 = vector.shape_cast %scan3A_17#0 : vector<16xf32> to vector<16xf32>
    tpu.vector_store %arg8[%swap3A], %swap3A_21 {strides = array<i32>} : memref<32xf32, #tpu.memory_space<vmem>>, vector<16xf32>,
    %swap3A_22 = arith.constant 16 : index
    %swap3A_23 = tpu.vector_load %arg8[%swap3A_22] {strides = array<i32>} : memref<32xf32, #tpu.memory_space<vmem>>, vector<16xf32>,
    %swap3A_24 = vector.shape_cast %swap3A_23 : vector<16xf32> to vector<16xf32>
    %swap3A_25 = vector.shape_cast %scan3A_17#1 : vector<16xf32> to vector<16xf32>
    tpu.vector_store %arg8[%swap3A_22], %swap3A_25 {strides = array<i32>} : memref<32xf32, #tpu.memory_space<vmem>>, vector<16xf32>,
    "tpu.region"() ({
      %run_scoped3A = tpu.sem_alloc : memref<!tpu.dma_semaphore, #tpu.memory_space<semaphore_mem>>
      %dma_start3A = arith.constant 0 : i32
      %dma_start3A_26 = tpu.memref_slice %arg4[%add3A, %dma_start3A] : memref<32x32xf32, #tpu.memory_space<hbm>> -> memref<1x32xf32, #tpu.memory_space<hbm>>
      %dma_start3A_27 = tpu.memref_squeeze %dma_start3A_26 : memref<1x32xf32, #tpu.memory_space<hbm>> -> memref<32xf32, #tpu.memory_space<hbm>>
      %dma_start3A_28 = arith.constant 0 : i32
      %dma_start3A_29 = tpu.memref_slice %arg4[%add3A, %dma_start3A_28] : memref<32x32xf32, #tpu.memory_space<hbm>> -> memref<1x32xf32, #tpu.memory_space<hbm>>
      %dma_start3A_30 = tpu.memref_squeeze %dma_start3A_29 : memref<1x32xf32, #tpu.memory_space<hbm>> -> memref<32xf32, #tpu.memory_space<hbm>>
      tpu.enqueue_dma source(%arg8 : memref<32xf32, #tpu.memory_space<vmem>>) target(%dma_start3A_30 : memref<32xf32, #tpu.memory_space<hbm>>) target_semaphore(%run_scoped3A : memref<!tpu.dma_semaphore, #tpu.memory_space<semaphore_mem>>)
      %dma_wait3A_31 = arith.constant 0 : i32
      %dma_wait3A_32 = tpu.memref_slice %arg4[%add3A, %dma_wait3A_31] : memref<32x32xf32, #tpu.memory_space<hbm>> -> memref<1x32xf32, #tpu.memory_space<hbm>>
      %dma_wait3A_33 = tpu.memref_squeeze %dma_wait3A_32 : memref<1x32xf32, #tpu.memory_space<hbm>> -> memref<32xf32, #tpu.memory_space<hbm>>
      %dma_wait3A_34 = arith.constant 0 : i32
      %dma_wait3A_35 = tpu.memref_slice %arg4[%add3A, %dma_wait3A_34] : memref<32x32xf32, #tpu.memory_space<hbm>> -> memref<1x32xf32, #tpu.memory_space<hbm>>
      %dma_wait3A_36 = tpu.memref_squeeze %dma_wait3A_35 : memref<1x32xf32, #tpu.memory_space<hbm>> -> memref<32xf32, #tpu.memory_space<hbm>>
      tpu.wait_dma2 semaphore(%run_scoped3A : memref<!tpu.dma_semaphore, #tpu.memory_space<semaphore_mem>>) src(%arg8 : memref<32xf32, #tpu.memory_space<vmem>>) dst(%dma_wait3A_36 : memref<32xf32, #tpu.memory_space<hbm>>)
      tpu.yield
    }) : () -> ()
    return
  }
}

</mosaic_0001>

<sc_bundles>
// kernel: kernel.3.cloned.1.call-start
scs
__scs_entry_jumppad:
0x0: {  	(pc) =	sbr.rel $0x88, $3  }
0x1: {  	(tag) =	ssettag $0x0;
	lr =	simm.s32 $0x1  }
0x2: {  	[smem:$0x3F9D] =	sst lr;
	_ =	strace $0xD0000000  }
0x3: {  	_ = 	snop  }
0x4: {  	_ = 	snop  }
0x5: {  	_ = 	snop  }
0x6: {  	_ = 	snop  }
0x7: {  	_ = 	snop  }
__scs_overlays_trampoline_lowered:
0x8: {  	[smem:$0x3FAC] =	sst s0  }
0x9: {  	[smem:$0x3FAD] =	sst s1  }
0xa: {  	[smem:$0x3FAE] =	sst s2  }
0xb: {  	[smem:$0x3FAF] =	sst s3  }
0xc: {  	[smem:$0x3FB0] =	sst s4  }
0xd: {  	[smem:$0x3FB1] =	sst s5  }
0xe: {  	[smem:$0x3FB2] =	sst s6  }
0xf: {  	[smem:$0x3FB3] =	sst s7  }
0x10: {  	[smem:$0x3FB4] =	sst s8  }
0x11: {  	[smem:$0x3FB5] =	sst s9;
	s0 =	simm.s32 @!p0 $0x0  }
0x12: {  	s1 =	sld [smem:$0x3F9B];
	s0 =	simm.s32 @p0 $0x1  }
0x13: {  	[smem:$0x3FB6] =	sst s0;
	s0 =	simm.s32 @!p1 $0x0  }
0x14: {  	s2 =	sld [smem:$0x3F9A];
	s0 =	simm.s32 @p1 $0x1  }
0x15: {  	[smem:$0x3FB7] =	sst s0;
	s0 =	simm.s32 @!p2 $0x0  }
0x16: {  	s3 =	sld [smem:$0x3FDB];
	s0 =	simm.s32 @p2 $0x1  }
0x17: {  	s4 =	simm.s32 $0x1BF5;
	[smem:$0x3FB9] =	sst s0  }
0x18: {  	s0 =	sld [smem:$0x3F9C];
	_ =	swait.ge [sflag:s4], $0x0  }
0x19: {  	s7 =	sld [smem:$0x3F9D]  }
0x1a: {  	s8 =	sadd.s32 $0xFFFFE003, lr  }
0x1b: {  	s9 =	sadd.s32 $0xFFFFFEF7, lr;
	s5 =	simm.s32 $0xFFFFFFFF;
	p2 =	slt.u32 s8, $0xFFFFF086  }
0x1c: {  	p1 =	slt.u32 s9, $0xF7A;
	s5 =	simm.s32 @!p2 $0x0  }
0x1d: {  	s5 =	simm.s32 @p1 $0x1;
	p0 =	seq.s32 s7, s2  }
0x1e: {  	s7 =	smul.u32 @!p0 $0xF7A, s2;
	p2 =	seq.s32 @!p0 s5, $0x0  }
0x1f: {  	s9 =	smul.u32 $0xF7A, s1;
	s8 =	simm.s32 @!p0 $0x1BF5;
	p2 =	por !p2, p0  }
0x20: {  	[sflag:s8] =	ssyncset.s32 @!p0 $0xFFFFF086;
	s6 =	sadd.s32 @!p0 s3, s7;
	s7 =	simm.s32 @!p0 $0x108  }
0x21: {  	s3 =	sadd.s32 s3, s9;
	s6 =	sadd.s32 @!p0 $0x88, s6;
	s7 =	simm.s32 @p2 $0x1082  }
0x22: {  	[simem:s7], [sflag:s8] =	dma.local @!p0 [hbm:s6], $0xF7A  }
0x23: {  	s9 =	sor.u32 $0xD0000000, s2;
	s6 =	simm.s32 $0x108;
	_ =	swait.ge @!p0 [sflag:s8], $0x0  }
0x24: {  	s3 =	sadd.s32 $0x88, s3;
	s6 =	simm.s32 @!p1 $0x1082;
	[sflag:s4] =	ssyncset.s32 $0xFFFFF086  }
0x25: {  	[simem:s6], [sflag:s4] =	dma.local [hbm:s3], $0xF7A  }
0x26: {  	[smem:$0x3F9D] =	sst s1;
	(tag) =	ssettag s2;
	_ =	strace s9  }
0x27: {  	s1 =	sld [smem:$0x3FAD]  }
0x28: {  	s2 =	sld [smem:$0x3FAE]  }
0x29: {  	s4 =	sld [smem:$0x3FB0]  }
0x2a: {  	p0 =	seq.s32 s5, $0x0;
	s5 =	sld [smem:$0x3FB1]  }
0x2b: {  	s6 =	sld [smem:$0x3FB2]  }
0x2c: {  	s7 =	sld [smem:$0x3FB3]  }
0x2d: {  	s3 =	simm.s32 $0x108;
	s8 =	sld [smem:$0x3FB4]  }
0x2e: {  	s3 =	simm.s32 @!p0 $0x1082;
	s9 =	sld [smem:$0x3FB5]  }
0x2f: {  	lr =	sadd.s32 s0, s3;
	s0 =	sld [smem:$0x3FAC]  }
0x30: {  	s3 =	sld [smem:$0x3FAF]  }
0x31: {  	[smem:$0x3FB8] =	sst s10  }
0x32: {  	s10 =	sld [smem:$0x3FB6];
	_ =	sdelay $0x3  }
0x33: {  	p0 =	seq.s32 s10, $0x1;
	s10 =	sld [smem:$0x3FB8];
	_ =	sdelay $0x3  }
0x34: {  	[smem:$0x3FB8] =	sst s10  }
0x35: {  	s10 =	sld [smem:$0x3FB7];
	_ =	sdelay $0x3  }
0x36: {  	p1 =	seq.s32 s10, $0x1;
	s10 =	sld [smem:$0x3FB8];
	_ =	sdelay $0x3  }
0x37: {  	[smem:$0x3FB8] =	sst s10  }
0x38: {  	s10 =	sld [smem:$0x3FB9]  }
0x39: {  	_ = 	snop;
	(pc) =	sbr.ind lr, $3  }
0x3a: {  	_ = 	snop  }
0x3b: {  	_ = 	snop  }
0x3c: {  	p2 =	seq.s32 s10, $0x1;
	s10 =	sld [smem:$0x3FB8]  }
0x3d: {  	_ =	shalt  }
0x3e: {  	_ =	shalt  }
0x3f: {  	_ =	shalt  }
0x40: {  	_ =	shalt  }
0x41: {  	_ =	shalt  }
0x42: {  	_ =	shalt  }
0x43: {  	_ =	shalt  }
0x44: {  	_ =	shalt  }
0x45: {  	_ =	shalt  }
0x46: {  	_ =	shalt  }
0x47: {  	_ =	shalt  }
0x48: {  	_ =	shalt  }
0x49: {  	_ =	shalt  }
0x4a: {  	_ =	shalt  }
0x4b: {  	_ =	shalt  }
0x4c: {  	_ =	shalt  }
0x4d: {  	_ =	shalt  }
0x4e: {  	_ =	shalt  }
0x4f: {  	_ =	shalt  }
0x50: {  	_ =	shalt  }
0x51: {  	_ =	shalt  }
0x52: {  	_ =	shalt  }
0x53: {  	_ =	shalt  }
0x54: {  	_ =	shalt  }
0x55: {  	_ =	shalt  }
0x56: {  	_ =	shalt  }
0x57: {  	_ =	shalt  }
0x58: {  	_ =	shalt  }
0x59: {  	_ =	shalt  }
0x5a: {  	_ =	shalt  }
0x5b: {  	_ =	shalt  }
0x5c: {  	_ =	shalt  }
0x5d: {  	_ =	shalt  }
0x5e: {  	_ =	shalt  }
0x5f: {  	_ =	shalt  }
0x60: {  	_ =	shalt  }
0x61: {  	_ =	shalt  }
0x62: {  	_ =	shalt  }
0x63: {  	_ =	shalt  }
0x64: {  	_ =	shalt  }
0x65: {  	_ =	shalt  }
0x66: {  	_ =	shalt  }
0x67: {  	_ =	shalt  }
0x68: {  	_ =	shalt  }
0x69: {  	_ =	shalt  }
0x6a: {  	_ =	shalt  }
0x6b: {  	_ =	shalt  }
0x6c: {  	_ =	shalt  }
0x6d: {  	_ =	shalt  }
0x6e: {  	_ =	shalt  }
0x6f: {  	_ =	shalt  }
0x70: {  	_ =	shalt  }
0x71: {  	_ =	shalt  }
0x72: {  	_ =	shalt  }
0x73: {  	_ =	shalt  }
0x74: {  	_ =	shalt  }
0x75: {  	_ =	shalt  }
0x76: {  	_ =	shalt  }
0x77: {  	_ =	shalt  }
0x78: {  	_ =	shalt  }
0x79: {  	_ =	shalt  }
0x7a: {  	_ =	shalt  }
0x7b: {  	_ =	shalt  }
0x7c: {  	_ =	shalt  }
0x7d: {  	_ =	shalt  }
0x7e: {  	_ =	shalt  }
0x7f: {  	_ =	shalt  }
0x80: {  	_ =	shalt  }
0x81: {  	_ =	shalt  }
0x82: {  	_ =	shalt  }
0x83: {  	_ =	shalt  }
0x84: {  	_ =	shalt  }
0x85: {  	_ =	shalt  }
0x86: {  	_ =	shalt  }
0x87: {  	_ =	shalt  }
.Lfunc_end0:
.L_simem_size_0:
called_computation_lowered:
.L_overlay_start_0:
0x88: {  	s2 =	sld [smem:$0x3FD9]  }
0x89: {  	s3 =	sld [smem:$0x3FFE];
	_ =	sdelay $0x1  }
0x8a: {  	s1 =	srdreg.scid  }
0x8b: {  	s0 =	sand.u32 $0x1, s1  }
0x8c: {  	s17 =	sshll.u32 s0, $0xA;
	s2 =	sadd.s32 s3, s2  }
0x8d: {  	s2 =	sadd.s32 s2, s17  }
0x8e: {  	[smem:$0x3FC4] =	sst s2  }
0x8f: {  	_ = 	snop  }
0x90: {  	s2 =	sld [smem:$0x3FC9];
	(tm) =	ssettm $0x1  }
0x91: {  	s18 =	sld [smem:$0x3FFB];
	_ =	sdelay $0x3  }
0x92: {  	_ =	strace s18  }
0x93: {  	s3 =	sld [smem:$0x3FFC];
	_ =	sdelay $0x3  }
0x94: {  	_ =	strace s3  }
0x95: {  	s3 =	sld [smem:$0x3FFD];
	_ =	sdelay $0x3  }
0x96: {  	_ =	strace s3  }
0x97: {  	_ =	strace $0x8FFFFFFF  }
0x98: {  	s19 =	sld [smem:$0x3FDB];
	_ =	sdelay $0x1  }
0x99: {  	s4 =	simm.s32 $_scs_section_size  }
0x9a: {  	s5 =	simm.s32 $_size__tile_overlayer_lowered;
	s6 =	simm.s32 $_tile_overlayer_lowered  }
0x9b: {  	s22 =	simm.s32 $0x1BFF;
	s21 =	sshll.u32 s6, $0x1;
	s3 =	sadd.s32 s4, s19  }
0x9c: {  	s7 =	simm.s32 $0x0;
	s20 =	sshll.u32 s5, $0x1;
	s5 =	sadd.s32 s21, s3  }
0x9d: {  	[timem:s7], [sflag:s22] =	dma.local [hbm:s5], s20  }
0x9e: {  	_ =	swait.ge [sflag:s22], s20  }
0x9f: {  	s4 =	ssub.s32 $0x0, s20;
	[sflag:s22] =	ssyncset.done $0x0  }
0xa0: {  	[sflag:s22] =	ssyncadd.s32 s4;
	_ =	sdelay $0x1  }
0xa1: {  	s23 =	simm.s32 $0x1B8B  }
0xa2: {  	_ =	swait.ge [sflag:s23], $0x1  }
0xa3: {  	[sflag:s23] =	ssyncset.done $0x0  }
0xa4: {  	s25 =	simm.s32 $0x1B8E;
	s24 =	sld [smem:$0x3FFE];
	[sflag:s23] =	ssyncadd.s32 $0xFFFFFFFF  }
0xa5: {  	s26 =	simm.s32 $execute0_lowered;
	[smem:$0x3FD2] =	sst s25  }
0xa6: {  	s5 =	sshll.u32 s26, $0x1;
	_ =	strace $0x80000046;
	[dreg:$0x1] =	wrdreg $0xFFFFFFFF  }
0xa7: {  	s28 =	simm.s32 $_size_execute0_lowered;
	s3 =	sadd.s32 s3, s5;
	[dreg:$0x0] =	wrdreg $0x0  }
0xa8: {  	s5 =	sshll.u32 s28, $0x1;
	[dreg:$0x2] =	wrdreg s3  }
0xa9: {  	[dreg:$0x3] =	wrdreg s5  }
0xaa: {  	[dreg:$0x4] =	wrdreg $0xC0  }
0xab: {  	_ =	task [dreg:s7], $0x5FFFF  }
0xac: {  	[dreg:$0x1] =	wrdreg $0xFFFFFFFF  }
0xad: {  	[dreg:$0x0] =	wrdreg $0x60  }
0xae: {  	[dreg:$0x2] =	wrdreg s2  }
0xaf: {  	[dreg:$0x3] =	wrdreg s24  }
0xb0: {  	[dreg:$0x4] =	wrdreg $0x9  }
0xb1: {  	_ =	task.clear_ibuf [dreg:s7], $0x5FFFF;
	_ =	strace $0x90000046  }
0xb2: {  	s29 =	simm.s32 $0x9;
	_ =	strace $0x80000048  }
0xb3: {  	_ =	swait.ge [sflag:s29], $0x1  }
0xb4: {  	[sflag:s29] =	ssyncadd.s32 $0xFFFFFFFF  }
0xb5: {  	_ =	strace $0x90000048  }
0xb6: {  	_ =	sfence  }
0xb7: {  	s30 =	sld [smem:$0x0];
	_ =	sdelay $0x2  }
0xb8: {  	s31 =	sshll.u32 s1, $0xD;
	s1 =	sshrl.u32 s1, $0x2  }
0xb9: {  	s3 =	sand.u32 $0x4000, s31;
	s1 =	sadd.s32 s1, s30  }
0xba: {  	s0 =	sor.u32 s3, s0;
	s1 =	sshll.u32 s1, $0x11  }
0xbb: {  	s0 =	sor.u32 s1, s0  }
0xbc: {  	s0 =	sadd.s32 $0x8F2B, s0  }
0xbd: {  	[sflag:s0] =	ssyncadd.remote.s32 $0x1  }
0xbe: {  	_ =	sfence.sel $0xFFFF  }
0xbf: {  	[dreg:$0x0] =	wrdreg $0xFFFFFFFF;
	(pc) =	sbr.abs _section_cstart, $3  }
0xc0: {  	[dreg:$0x1] =	wrdreg $0xFFFFFFFF  }
0xc1: {  	_ =	task.clear_ibuf [dreg:s7], $0x2FFFF;
	_ =	strace $0x9FFFFFFF  }
0xc2: {  	(tm) =	ssettm $0x7FFFFFFF  }
0xc3: {  	_ =	shalt  }
tec
execute0_lowered:
.L_overlay_start_1:
0x0: {  	(tag) =	ssettag $0x1  }
0x1: {  	s2 =	rddreg [dreg:$0x0]  }
0x2: {  	s4 =	rddreg [dreg:$0x1]  }
0x3: {  	s3 =	srdreg.scid;
	s1 =	stileid.u32  }
0x4: {  	s0 =	rddreg [dreg:$0x2];
	s10 =	simm.s32 $0x1;
	s11 =	simm.s32 $0x1A00  }
0x5: {  	s12 =	simm.s32 $0x0;
	s5 =	sand.u32 $0x1, s3;
	s6 =	sshll.u32 s1, $0x1  }
0x6: {  	s3 =	simm.s32 $0x0;
	s7 =	sshrl.u32 s1, $0x2;
	s6 =	sor.u32 s5, s6  }
0x7: {  	[smem:$0x7FF] =	sst s3;
	s9 =	smul.u32 $0x5000, s7;
	s7 =	sshll.u32 s7, $0xA  }
0x8: {  	s5 =	ssub.s32 $0x2, s5;
	s8 =	sshll.u32 s6, $0x7;
	_ =	strace $0x80000047  }
0x9: {  	s30 =	sshrl.u32 s5, $0x1;
	s31 =	sshll.u32 s6, $0x11;
	s8 =	sand.u32 $0x380, s8  }
0xa: {  	s7 =	sor.u32 s7, s8;
	s8 =	sor.u32 s9, s8;
	s9 =	ssub.s32 s5, s30  }
0xb: {  	s7 =	sshrl.u32 s7, $0x3;
	s8 =	sshrl.u32 s8, $0x3;
	s6 =	smax.u32 s9, $0x1  }
0xc: {  	v0 =	vmov s31;
	s9 =	simm.s32 $0x2;
	s7 =	sadd.s32 s7, s4;
	s4 =	sadd.s32 s4, s8  }
0xd: {  	v1 =	vor.u32 $0x10000, v0;
	s8 =	simm.s32 $0x400;
	s5 =	sadd.s32 $0x2800, s7;
	s7 =	simm.s32 $0x80  }
.LBB2_1:
0xe: {  	[tilespmem:s3], [sflag:$0x2] =	stream.strided.gather [hbm4b:s4+s7], $0xA00, s8, s7, $0x38;
	[tilespmem:$0x1A80] =	vst v63  }
0xf: {  	_ =	swait.ge [sflag:s9], $0xA00  }
0x10: {  	[sflag:s9] =	ssyncset.done $0x0  }
0x11: {  	[sflag:s9] =	ssyncadd.s32 $0xFFFFF600  }
0x12: {  	v2 =	vld [tilespmem:s3+$0x0];
	_ =	sdelay $0x4  }
0x13: {  	v2 =	vtrunc.f32 v2  }
0x14: {  	v2 =	vcvt.f32.s32 v2;
	_ =	sdelay $0x1  }
0x15: {  	v3 =	vshll.u32 v2, $0x3  }
0x16: {  	v4 =	vshrl.u32 v2, $0x1;
	v2 =	vand.u32 $0xFFFFF87F, v2;
	v3 =	vand.u32 $0x400, v3  }
0x17: {  	v4 =	vand.u32 $0x380, v4;
	v2 =	vor.u32 v3, v2  }
0x18: {  	v2 =	vor.u32 v4, v2  }
0x19: {  	s13 =	simm.s32 $0xA00;
	v3 =	vadd.s32 v0, v2  }
0x1a: {  	v2 =	vadd.s32 v1, v2;
	[tilespmem:s13+$0x0] =	vst v3  }
0x1b: {  	[tilespmem:s13+$0x20] =	vst v2  }
0x1c: {  	v2 =	vld [tilespmem:s3+$0x10];
	_ =	sdelay $0x4  }
0x1d: {  	v2 =	vtrunc.f32 v2  }
0x1e: {  	v2 =	vcvt.f32.s32 v2;
	_ =	sdelay $0x1  }
0x1f: {  	v3 =	vshll.u32 v2, $0x3  }
0x20: {  	v4 =	vshrl.u32 v2, $0x1;
	v2 =	vand.u32 $0xFFFFF87F, v2;
	v3 =	vand.u32 $0x400, v3  }
0x21: {  	v4 =	vand.u32 $0x380, v4;
	v2 =	vor.u32 v3, v2  }
0x22: {  	v2 =	vor.u32 v4, v2  }
0x23: {  	v3 =	vadd.s32 v0, v2  }
0x24: {  	v2 =	vadd.s32 v1, v2;
	[tilespmem:s13+$0x10] =	vst v3  }
0x25: {  	s14 =	sand.u32 $0x1E0, s3;
	[tilespmem:s13+$0x30] =	vst v2  }
0x26: {  	v2 =	vld [tilespmem:s14+$0x200];
	_ =	sdelay $0x4  }
0x27: {  	v2 =	vtrunc.f32 v2  }
0x28: {  	v2 =	vcvt.f32.s32 v2;
	_ =	sdelay $0x1  }
0x29: {  	v3 =	vshll.u32 v2, $0x3  }
0x2a: {  	v4 =	vshrl.u32 v2, $0x1;
	v2 =	vand.u32 $0xFFFFF87F, v2;
	v3 =	vand.u32 $0x400, v3  }
0x2b: {  	v4 =	vand.u32 $0x380, v4;
	v2 =	vor.u32 v3, v2  }
0x2c: {  	v2 =	vor.u32 v4, v2  }
0x2d: {  	v3 =	vadd.s32 v0, v2  }
0x2e: {  	v2 =	vadd.s32 v1, v2;
	[tilespmem:s13+$0x40] =	vst v3  }
0x2f: {  	[tilespmem:s13+$0x60] =	vst v2  }
0x30: {  	v2 =	vld [tilespmem:s3+$0x210];
	_ =	sdelay $0x4  }
0x31: {  	v2 =	vtrunc.f32 v2  }
0x32: {  	v2 =	vcvt.f32.s32 v2;
	_ =	sdelay $0x1  }
0x33: {  	v3 =	vshll.u32 v2, $0x3  }
0x34: {  	s15 =	simm.s32 $0x20;
	s18 =	simm.s32 $0x0;
	v4 =	vshrl.u32 v2, $0x1;
	v5 =	vand.u32 $0xFFFFF87F, v2;
	v3 =	vand.u32 $0x400, v3  }
0x35: {  	s16 =	simm.s32 $0xA00;
	s17 =	simm.s32 $0x1200;
	s14 =	simm.s32 $0x1200;
	v2 =	vand.u32 $0x380, v4;
	v3 =	vor.u32 v3, v5  }
.LBB2_2:
0x36: {  	v2 =	vor.u32 v2, v3;
	s18 =	sadd.s32 $0x20, s18;
	s13 =	sadd.s32 $0x80, s13;
	s14 =	sadd.s32 $0x80, s14  }
0x37: {  	p0 =	sne.s32 s15, $0x1E0;
	s19 =	smov.u32 s15;
	s15 =	sadd.s32 $0x20, s15;
	v3 =	vadd.s32 v0, v2;
	v2 =	vadd.s32 v1, v2  }
0x38: {  	[tilespmem:s16+$0x50] =	vst v3  }
0x39: {  	[tilespmem:s16+$0x70] =	vst v2  }
0x3a: {  	[tilespmem:s17], [sflag:$0x1] =	stream.indirect.gather [hbm4b:s2+s7], $0x1, s16, s7, $0xb8;
	[tilespmem:$0x1A80] =	vst v63  }
0x3b: {  	s16 =	smov.u32 s13;
	s17 =	smov.u32 s14;
	v2 =	vld [tilespmem:s18+$0x0];
	_ =	sdelay $0x4  }
0x3c: {  	v2 =	vtrunc.f32 v2  }
0x3d: {  	v2 =	vcvt.f32.s32 v2;
	_ =	sdelay $0x1  }
0x3e: {  	v3 =	vshll.u32 v2, $0x3;
	v4 =	vshrl.u32 v2, $0x1  }
0x3f: {  	v2 =	vand.u32 $0xFFFFF87F, v2;
	v3 =	vand.u32 $0x400, v3  }
0x40: {  	v4 =	vand.u32 $0x380, v4;
	v2 =	vor.u32 v3, v2  }
0x41: {  	v2 =	vor.u32 v4, v2  }
0x42: {  	v3 =	vadd.s32 v0, v2;
	v2 =	vadd.s32 v1, v2  }
0x43: {  	[tilespmem:s13+$0x0] =	vst v3  }
0x44: {  	[tilespmem:s13+$0x20] =	vst v2  }
0x45: {  	v2 =	vld [tilespmem:s18+$0x10];
	_ =	sdelay $0x4  }
0x46: {  	v2 =	vtrunc.f32 v2  }
0x47: {  	v2 =	vcvt.f32.s32 v2;
	_ =	sdelay $0x1  }
0x48: {  	v3 =	vshll.u32 v2, $0x3;
	v4 =	vshrl.u32 v2, $0x1;
	v2 =	vand.u32 $0xFFFFF87F, v2  }
0x49: {  	v3 =	vand.u32 $0x400, v3;
	v4 =	vand.u32 $0x380, v4  }
0x4a: {  	v2 =	vor.u32 v3, v2  }
0x4b: {  	v2 =	vor.u32 v4, v2  }
0x4c: {  	s19 =	sand.u32 $0x1E0, s19;
	v3 =	vadd.s32 v0, v2;
	v2 =	vadd.s32 v1, v2  }
0x4d: {  	[tilespmem:s13+$0x10] =	vst v3  }
0x4e: {  	[tilespmem:s13+$0x30] =	vst v2  }
0x4f: {  	v2 =	vld [tilespmem:s19+$0x200];
	_ =	sdelay $0x4  }
0x50: {  	v2 =	vtrunc.f32 v2  }
0x51: {  	v2 =	vcvt.f32.s32 v2;
	_ =	sdelay $0x1  }
0x52: {  	v3 =	vshll.u32 v2, $0x3;
	v4 =	vshrl.u32 v2, $0x1;
	v2 =	vand.u32 $0xFFFFF87F, v2  }
0x53: {  	v3 =	vand.u32 $0x400, v3;
	v4 =	vand.u32 $0x380, v4  }
0x54: {  	v2 =	vor.u32 v3, v2  }
0x55: {  	v2 =	vor.u32 v4, v2  }
0x56: {  	v3 =	vadd.s32 v0, v2;
	v2 =	vadd.s32 v1, v2  }
0x57: {  	[tilespmem:s13+$0x40] =	vst v3  }
0x58: {  	[tilespmem:s13+$0x60] =	vst v2  }
0x59: {  	v2 =	vld [tilespmem:s18+$0x210];
	_ =	sdelay $0x4  }
0x5a: {  	v2 =	vtrunc.f32 v2  }
.Ltmp0:
0x5b: {  	v2 =	vcvt.f32.s32 v2;
	(pc) =	sbr.rel @p0 .LBB2_2-.Ltmp0, $4  }
0x5c: {  	_ = 	snop  }
0x5d: {  	v3 =	vshll.u32 v2, $0x3;
	v4 =	vshrl.u32 v2, $0x1;
	v5 =	vand.u32 $0xFFFFF87F, v2  }
0x5e: {  	v3 =	vand.u32 $0x400, v3;
	v2 =	vand.u32 $0x380, v4  }
0x5f: {  	v3 =	vor.u32 v3, v5  }
0x60: {  	v2 =	vor.u32 v2, v3  }
0x61: {  	v3 =	vadd.s32 v0, v2  }
0x62: {  	v2 =	vadd.s32 v1, v2;
	[tilespmem:s16+$0x50] =	vst v3  }
0x63: {  	s13 =	simm.s32 $0x0;
	[tilespmem:s16+$0x70] =	vst v2  }
0x64: {  	[tilespmem:s17], [sflag:$0x1] =	stream.indirect.gather [hbm4b:s2+s7], $0x1, s16, s7, $0xb8;
	[tilespmem:$0x1A80] =	vst v63  }
0x65: {  	p0 =	por $0x0, $0x0;
	s14 =	simm.s32 $0x0;
	_ =	swait.ge [sflag:s10], $0x800  }
0x66: {  	s15 =	sand.u32 $0x1F0, s13;
	s13 =	sand.u32 $0x10, s13;
	[sflag:s10] =	ssyncset.done $0x0  }
0x67: {  	s14 =	sand.u32 $0x780, s14;
	s16 =	simm.s32 $0x1;
	[sflag:s10] =	ssyncadd.s32 $0xFFFFF800  }
0x68: {  	s13 =	sor.u32 s13, s14;
	s16 =	simm.s32 @!p0 $0x0;
	v2 =	vld [tilespmem:s15+$0x800]  }
0x69: {  	s16 =	sshll.u32 s16, $0x4;
	v4 =	vld [tilespmem:s13+$0x1220]  }
0x6a: {  	s20 =	sadd.s32 $0x0, s16;
	v5 =	vld [tilespmem:s13+$0x1200]  }
0x6b: {  	s17 =	simm.s32 $0x1;
	p0 =	por !p0, !p0;
	s14 =	sor.u32 $0x40, s20;
	v8 =	vld [tilespmem:s15+$0x400]  }
0x6c: {  	s17 =	simm.s32 @!p0 $0x0;
	v7 =	vld [tilespmem:s14+$0x1200]  }
0x6d: {  	s22 =	simm.s32 $0x10;
	s25 =	sshll.u32 s17, $0x4;
	s21 =	sor.u32 $0x60, s20;
	v10 =	vld [tilespmem:s15+$0x600]  }
0x6e: {  	s23 =	simm.s32 $0x40;
	s24 =	sand.u32 $0x1F0, s22;
	s26 =	sadd.s32 $0x40, s25;
	v6 =	vld [tilespmem:s21+$0x1200]  }
0x6f: {  	s13 =	sand.u32 $0x10, s22;
	v3 =	vld [tilespmem:s24+$0x800];
	s14 =	sand.u32 $0x780, s23;
	s28 =	sor.u32 $0x60, s26  }
0x70: {  	s13 =	sor.u32 s13, s14;
	v12 =	vld [tilespmem:s28+$0x1200]  }
0x71: {  	s14 =	sor.u32 $0x40, s26;
	v11 =	vld [tilespmem:s13+$0x1220];
	v5 =	vadd.f32 v7, v5  }
0x72: {  	v13 =	vld [tilespmem:s14+$0x1200]  }
0x73: {  	v7 =	vld [tilespmem:s13+$0x1200];
	v4 =	vadd.f32 v6, v4;
	v5 =	vmul.f32 $5.000000000e-01, v5  }
0x74: {  	v8 =	vmul.f32 v8, v2;
	v6 =	vld [tilespmem:s24+$0x400]  }
0x75: {  	s29 =	simm.s32 $0x20;
	s30 =	simm.s32 $0x80;
	v4 =	vmul.f32 $5.000000000e-01, v4;
	v5 =	vmul.f32 v5, v2  }
0x76: {  	p0 =	por !p0, !p0;
	s17 =	simm.s32 $0x1;
	s13 =	sand.u32 $0x1F0, s29;
	v11 =	vadd.f32 v12, v11  }
0x77: {  	s17 =	simm.s32 @!p0 $0x0;
	s15 =	sand.u32 $0x780, s30;
	s14 =	sand.u32 $0x10, s29;
	v15 =	vmul.f32 v4, v2;
	v4 =	vld [tilespmem:s13+$0x800];
	v9 =	vsub.f32 v5, v8;
	v8 =	vmul.f32 v10, v2  }
0x78: {  	s31 =	sshll.u32 s17, $0x4;
	s18 =	sor.u32 s14, s15;
	v12 =	vmul.f32 $5.000000000e-01, v11;
	v11 =	vimm.f32 $0.0e+00;
	v16 =	vadd.f32 v13, v7;
	v5 =	vld [tilespmem:s24+$0x600]  }
0x79: {  	s16 =	simm.s32 $0x30;
	s17 =	sadd.s32 $0x80, s31;
	v10 =	vmul.f32 v6, v3;
	v6 =	vld [tilespmem:s18+$0x1220];
	v14 =	vmul.f32 $5.000000000e-01, v9;
	v13 =	vsub.f32 v15, v8  }
0x7a: {  	s14 =	simm.s32 $0xFFFFF880;
	s15 =	simm.s32 $0x80;
	v7 =	vimm.f32 $0.0e+00;
	v15 =	vmul.f32 $5.000000000e-01, v16;
	v8 =	vld [tilespmem:s18+$0x1200];
	s18 =	sor.u32 $0x60, s17;
	v16 =	vand.u32 $0x7FFFFFFF, v9  }
.LBB2_4:
0x7b: {  	p1 =	sne.s32 s16, $0x1F0;
	s17 =	sor.u32 $0x40, s17;
	v17 =	vld [tilespmem:s18+$0x1200];
	v9 =	vmul.f32 v14, v9;
	v14 =	vadd.f32 $-5.000000000e-01, v16;
	v18 =	vmul.f32 $5.000000000e-01, v13  }
0x7c: {  	vm0 =	vlt.f32 v16, $1.000000000e+00;
	v16 =	vand.u32 $0x7FFFFFFF, v13;
	v19 =	vld [tilespmem:s17+$0x1200];
	v15 =	vmul.f32 v15, v3  }
0x7d: {  	v20 =	vld [tilespmem:s13+$0x400];
	v9 =	vsel vm0, v9, v14;
	v13 =	vmul.f32 v18, v13;
	v14 =	vadd.f32 $-5.000000000e-01, v16  }
0x7e: {  	s14 =	sadd.s32 $0x40, s14;
	v11 =	vadd.f32 v2, v11;
	s18 =	sand.u32 $0x1F0, s16;
	p0 =	por !p0, !p0;
	vm0 =	vlt.f32 v16, $1.000000000e+00;
	v7 =	vadd.f32 v9, v7  }
.Ltmp1:
0x7f: {  	s19 =	simm.s32 $0x1;
	s17 =	sadd.s32 $0x800, s14;
	v9 =	vsub.f32 v15, v10;
	v15 =	vmul.f32 v5, v3;
	v10 =	vsel vm0, v13, v14;
	(pc) =	sbr.rel @p1 .LBB2_4-.Ltmp1, $4  }
0x80: {  	s20 =	sand.u32 $0x10, s16;
	s19 =	simm.s32 @!p0 $0x0;
	v12 =	vmul.f32 v12, v3;
	s17 =	sand.u32 $0x780, s17;
	v11 =	vadd.f32 v11, v2;
	v2 =	vmovc v3;
	v5 =	vld [tilespmem:s13+$0x600];
	v7 =	vadd.f32 v10, v7  }
0x81: {  	s15 =	sadd.s32 $0x40, s15;
	v3 =	vmov v4;
	s13 =	sshll.u32 s19, $0x4;
	s19 =	sor.u32 s20, s17;
	v17 =	vadd.f32 v17, v6;
	v16 =	vadd.f32 v19, v8;
	v4 =	vld [tilespmem:s18+$0x800]  }
0x82: {  	v14 =	vmul.f32 $5.000000000e-01, v9;
	v13 =	vsub.f32 v12, v15;
	s17 =	sadd.s32 s13, s15;
	s13 =	smov.u32 s18;
	v6 =	vld [tilespmem:s19+$0x1220];
	v10 =	vmul.f32 v20, v3  }
0x83: {  	s16 =	sadd.s32 $0x10, s16;
	s18 =	sor.u32 $0x60, s17;
	v12 =	vmul.f32 $5.000000000e-01, v17;
	v8 =	vld [tilespmem:s19+$0x1200];
	v15 =	vmul.f32 $5.000000000e-01, v16;
	v16 =	vand.u32 $0x7FFFFFFF, v9  }
0x84: {  	s14 =	sor.u32 $0x40, s17;
	v17 =	vld [tilespmem:s18+$0x1200];
	v9 =	vmul.f32 v14, v9;
	v45 =	vadd.f32 $-5.000000000e-01, v16  }
0x85: {  	v18 =	vmul.f32 $5.000000000e-01, v13;
	vm0 =	vlt.f32 v16, $1.000000000e+00;
	v46 =	vand.u32 $0x7FFFFFFF, v13;
	v19 =	vld [tilespmem:s14+$0x1200]  }
0x86: {  	v20 =	vld [tilespmem:s13+$0x400];
	v49 =	vadd.f32 v2, v11;
	v15 =	vmul.f32 v15, v3;
	v48 =	vadd.f32 $-5.000000000e-01, v46  }
0x87: {  	v5 =	vmul.f32 v5, v3;
	v12 =	vmul.f32 v12, v3;
	v9 =	vsel vm0, v9, v45  }
0x88: {  	v51 =	vld [tilespmem:s13+$0x600];
	v47 =	vmul.f32 v18, v13;
	v2 =	vadd.f32 v49, v2;
	v7 =	vadd.f32 v9, v7  }
0x89: {  	vm11 =	vlt.f32 v46, $1.000000000e+00;
	v10 =	vsub.f32 v15, v10;
	v5 =	vsub.f32 v12, v5  }
0x8a: {  	v50 =	vsel vm11, v47, v48;
	v2 =	vadd.f32 v3, v2;
	v8 =	vadd.f32 v19, v8  }
0x8b: {  	v7 =	vadd.f32 v50, v7;
	v6 =	vadd.f32 v17, v6;
	v52 =	vmul.f32 v20, v4  }
0x8c: {  	v53 =	vmul.f32 $5.000000000e-01, v10;
	v54 =	vand.u32 $0x7FFFFFFF, v10;
	v8 =	vmul.f32 $5.000000000e-01, v8  }
0x8d: {  	v56 =	vmul.f32 $5.000000000e-01, v5;
	v57 =	vand.u32 $0x7FFFFFFF, v5;
	v11 =	vmul.f32 v51, v4  }
0x8e: {  	v55 =	vadd.f32 $-5.000000000e-01, v54;
	v6 =	vmul.f32 $5.000000000e-01, v6;
	v8 =	vmul.f32 v8, v4  }
0x8f: {  	vm12 =	vlt.f32 v54, $1.000000000e+00;
	v58 =	vadd.f32 $-5.000000000e-01, v57;
	v2 =	vadd.f32 v2, v3  }
0x90: {  	v10 =	vmul.f32 v53, v10;
	v6 =	vmul.f32 v6, v4;
	v8 =	vsub.f32 v8, v52  }
0x91: {  	vm13 =	vlt.f32 v57, $1.000000000e+00;
	v5 =	vmul.f32 v56, v5;
	v2 =	vadd.f32 v4, v2  }
0x92: {  	v10 =	vsel vm12, v10, v55;
	v6 =	vsub.f32 v6, v11;
	v59 =	vmul.f32 $5.000000000e-01, v8  }
0x93: {  	v5 =	vsel vm13, v5, v58;
	v7 =	vadd.f32 v10, v7;
	v60 =	vand.u32 $0x7FFFFFFF, v8  }
0x94: {  	v62 =	vmul.f32 $5.000000000e-01, v6;
	v61 =	vadd.f32 $-5.000000000e-01, v60;
	v8 =	vmul.f32 v59, v8  }
0x95: {  	v5 =	vadd.f32 v5, v7;
	v3 =	vand.u32 $0x7FFFFFFF, v6;
	vm14 =	vlt.f32 v60, $1.000000000e+00  }
0x96: {  	v63 =	vadd.f32 $-5.000000000e-01, v3;
	v6 =	vmul.f32 v62, v6;
	v7 =	vsel vm14, v8, v61  }
0x97: {  	vm15 =	vlt.f32 v3, $1.000000000e+00;
	v5 =	vadd.f32 v7, v5  }
0x98: {  	v2 =	vadd.f32 v2, v4;
	v3 =	vsel vm15, v6, v63  }
0x99: {  	s12 =	sadd.s32 $0x1, s12;
	v3 =	vadd.f32 v3, v5  }
0x9a: {  	p0 =	sne.s32 s12, s6;
	[tilespmem:$0x1A10] =	vst v2  }
.Ltmp2:
0x9b: {  	[tilespmem:$0x1A00] =	vst v3;
	(pc) =	sbr.rel @p0 .LBB2_1-.Ltmp2, $4  }
0x9c: {  	[hbm4b:s5+s3] =	stream.linear.scatter [tilespmem:s11], [sflag:$0x2], $0x80, $0x38;
	[tilespmem:$0x1A80] =	vst v63  }
0x9d: {  	_ =	swait.ge [sflag:s9], $0x80  }
0x9e: {  	[sflag:s9] =	ssyncset.done $0x0  }
0x9f: {  	[sflag:s9] =	ssyncadd.s32 $0xFFFFFF80  }
0xa0: {  	_ =	sfence.sel $0x180000  }
0xa1: {  	[bflag:$0x0] =	sbarrier.arrive $0xFFFF  }
0xa2: {  	p0 =	sne.s32 s1, $0x0;
	_ =	strace $0x90000047  }
0xa3: {  	s0 =	sadd.s32 @!p0 $0x100000, s0;
	[bflag:$0x2] =	sbarrier.arrive $0xFFFF  }
0xa4: {  	[sflag:s0] =	ssyncadd.tile.s32 @!p0 $0x1;
	_ =	shalt  }
.Lfunc_end2:
_tile_overlayer_lowered:
.L_overlay_start_2:
0xa5: {  	(tag) =	ssettag $0x2  }
0xa6: {  	s0 =	rddreg [dreg:$0x0];
	s2 =	stileid.u32  }
0xa7: {  	s1 =	rddreg [dreg:$0x1];
	p0 =	sne.s32 s2, $0x0  }
0xa8: {  	s3 =	rddreg [dreg:$0x2];
	[bflag:$0x3] =	sbarrier.arrive $0xFFFF;
	s2 =	simm.s32 @!p0 $0x1C02  }
0xa9: {  	[timem:s3], [sflag:s2] =	dma.local @!p0 [hbm:s0], s1  }
0xaa: {  	s0 =	simm.s32 @!p0 $0x2  }
0xab: {  	_ =	swait.ge @!p0 [sflag:s0], s1  }
0xac: {  	s1 =	ssub.s32 @!p0 $0x0, s1;
	[sflag:s0] =	ssyncset.done @!p0 $0x0  }
0xad: {  	[sflag:s0] =	ssyncadd.s32 @!p0 s1  }
0xae: {  	[bflag:$0x3] =	sbarrier.arrive $0xFFFF  }
0xaf: {  	_ =	shalt  }

</sc_bundles>
